<compile_context>
chip_gen: v7x
topology: tpu7x:2x2x1
jax: 0.10.2.dev20260603
libtpu: 0.0.44.dev20260713+nightly
codegen_flags: <defaults>
</compile_context>

<pallas_src>
import functools

import jax
import jax.numpy as jnp
from jax import lax
from jax.experimental import pallas as pl
from jax.experimental.pallas import tpu as pltpu
from jax.experimental.pallas import tpu_sc as plsc

_NC, _NS = 2, 16


def _make_sc_lookup(D, N):
    n_chunks = D // 8
    mesh = plsc.VectorSubcoreMesh(
        core_axis_name="c", subcore_axis_name="s", num_cores=_NC, num_subcores=_NS
    )

    @functools.partial(
        pl.kernel,
        mesh=mesh,
        out_type=jax.ShapeDtypeStruct((D, N), jnp.float32),
        scratch_types=[
            pltpu.VMEM((8, N), jnp.float32),
            pltpu.SemaphoreType.DMA,
        ],
        compiler_params=pltpu.CompilerParams(use_tc_tiling_on_sc=True),
    )
    def k(t_hbm, o_hbm, buf, sem):
        c = lax.axis_index("c")
        s = lax.axis_index("s")
        wid = s * _NC + c

        @pl.when(wid < n_chunks)
        def _lookup():
            r0 = pl.multiple_of(wid * 8, 8)
            pltpu.make_async_copy(t_hbm.at[pl.ds(r0, 8)], buf, sem).start()
            pltpu.make_async_copy(t_hbm.at[pl.ds(r0, 8)], buf, sem).wait()
            pltpu.make_async_copy(buf, o_hbm.at[pl.ds(r0, 8)], sem).start()
            pltpu.make_async_copy(buf, o_hbm.at[pl.ds(r0, 8)], sem).wait()

    return k


def _make_tc_body(B, T):
    def body(t_ref, o_ref, sem):
        def fire(i, c):
            b = i // T
            t = i - b * T
            pltpu.make_async_copy(t_ref, o_ref.at[b, t], sem).start()
            return c

        lax.fori_loop(0, B * T, fire, 0)

        def drain(i, c):
            b = i // T
            t = i - b * T
            pltpu.make_async_copy(t_ref, o_ref.at[b, t], sem).wait()
            return c

        lax.fori_loop(0, B * T, drain, 0)

    return body


def _merge_body(big_ref, slab_ref, o_ref, sem):
    del big_ref
    pltpu.make_async_copy(slab_ref, o_ref.at[0, 0], sem).start()
    pltpu.make_async_copy(slab_ref, o_ref.at[0, 0], sem).wait()


def kernel(x, table):
    B, T, N, _ = x.shape
    D = table.shape[1]
    t2 = table.T
    slab = _make_sc_lookup(D, N)(t2)
    out = pl.pallas_call(
        _make_tc_body(B, T),
        in_specs=[pl.BlockSpec(memory_space=pltpu.VMEM)],
        out_specs=pl.BlockSpec(memory_space=pl.ANY),
        out_shape=jax.ShapeDtypeStruct((B, T, D, N), jnp.float32),
        scratch_shapes=[pltpu.SemaphoreType.DMA],
    )(t2)
    out = pl.pallas_call(
        _merge_body,
        in_specs=[
            pl.BlockSpec(memory_space=pl.ANY),
            pl.BlockSpec(memory_space=pltpu.VMEM),
        ],
        out_specs=pl.BlockSpec(memory_space=pl.ANY),
        out_shape=jax.ShapeDtypeStruct((B, T, D, N), jnp.float32),
        scratch_shapes=[pltpu.SemaphoreType.DMA],
        input_output_aliases={0: 0},
    )(out, slab)
    return out.transpose(0, 1, 3, 2)

# --- scband reference (transcript-rebuilt; emitter-appended) ---
"""Pipeline reference for scband-position-embedding-4870492914008 (READ-ONLY COPY).

The authoritative reference and input builder live on the scoring server;
editing this copy changes nothing except your own understanding.
"""

import jax, jax.numpy as jnp
import numpy as np


def setup_inputs(seed: int = 0) -> dict:
    key = jax.random.key(seed)
    k1, k2 = jax.random.split(key)
    x = jax.random.normal(k1, (16, 12, 10000, 16), dtype=jnp.float32)
    # learned embedding table: nn.Embedding(num_nodes=10000, position_dim=32)
    table = jax.random.normal(k2, (10000, 32), dtype=jnp.float32)
    return {"x": x, "table": table}


def reference(x, table):
    # Faithful translation of PositionEmbedding.forward (method='learnable'):
    # position_enc = embedding(arange(num_nodes)) -> unsqueeze -> expand
    batch_size, in_steps, num_nodes, feat_dim = x.shape
    idx = jnp.arange(num_nodes)
    position_enc = jnp.take(table, idx, axis=0)  # [N, position_dim]
    position_enc = position_enc[None, None, :, :]  # [1, 1, N, D]
    position_enc = jnp.broadcast_to(
        position_enc, (batch_size, in_steps, num_nodes, table.shape[1])
    )
    return position_enc

if __name__ == "__main__":
    import jax
    _d = setup_inputs()
    print(jax.jit(kernel)(*tuple(_d.values())))

</pallas_src>

<mosaic_0001>
#map = affine_map<(d0, d1) -> (0, 0)>
module attributes {stable_mosaic.version = 14 : i64} {
  func.func @k(%arg0: i32, %arg1: i32, %arg2: memref<32x10000xf32, #tpu.memory_space<hbm>>, %arg3: memref<32x10000xf32, #tpu.memory_space<hbm>>, %arg4: memref<8x10000xf32, #tpu.memory_space<vmem>>, %arg5: memref<!tpu.dma_semaphore, #tpu.memory_space<semaphore_mem>>) attributes {dimension_semantics = [#tpu.dimension_semantics<core_parallel>, #tpu.dimension_semantics<subcore_parallel>], iteration_bounds = array<i64: 2, 16>, scalar_prefetch = 0 : i64, scratch_operands = 2 : i64, tpu.core_type = #tpu.core_type<sc_vector_subcore>, window_params = [{transform_indices = #map}, {transform_indices = #map}]} {
    %mul3A = arith.constant 2 : i32
    %mul3A_0 = arith.muli %arg1, %mul3A : i32
    %add3A = arith.addi %mul3A_0, %arg0 : i32
    %lt3A = arith.constant 4 : i32
    %lt3A_1 = arith.cmpi slt, %add3A, %lt3A : i32
    %convert_element_type3A = arith.extui %lt3A_1 : i1 to i32
    %cond3A = arith.constant 0 : i32
    %cond3A_2 = arith.cmpi ne, %convert_element_type3A, %cond3A : i32
    scf.if %cond3A_2 {
      %mul3A_3 = arith.constant 8 : i32
      %mul3A_4 = arith.muli %add3A, %mul3A_3 : i32
      %multiple_of3A = tpu.assume_multiple %mul3A_4, 8 : i32
      %dma_start3A = arith.constant 0 : i32
      %dma_start3A_5 = tpu.memref_slice %arg2[%multiple_of3A, %dma_start3A] : memref<32x10000xf32, #tpu.memory_space<hbm>> -> memref<8x10000xf32, #tpu.memory_space<hbm>>
      %dma_start3A_6 = arith.constant 0 : i32
      %dma_start3A_7 = tpu.memref_slice %arg2[%multiple_of3A, %dma_start3A_6] : memref<32x10000xf32, #tpu.memory_space<hbm>> -> memref<8x10000xf32, #tpu.memory_space<hbm>>
      tpu.enqueue_dma source(%dma_start3A_7 : memref<8x10000xf32, #tpu.memory_space<hbm>>) target(%arg4 : memref<8x10000xf32, #tpu.memory_space<vmem>>) target_semaphore(%arg5 : memref<!tpu.dma_semaphore, #tpu.memory_space<semaphore_mem>>)
      %dma_wait3A = arith.constant 0 : i32
      %dma_wait3A_8 = tpu.memref_slice %arg2[%multiple_of3A, %dma_wait3A] : memref<32x10000xf32, #tpu.memory_space<hbm>> -> memref<8x10000xf32, #tpu.memory_space<hbm>>
      %dma_wait3A_9 = arith.constant 0 : i32
      %dma_wait3A_10 = tpu.memref_slice %arg2[%multiple_of3A, %dma_wait3A_9] : memref<32x10000xf32, #tpu.memory_space<hbm>> -> memref<8x10000xf32, #tpu.memory_space<hbm>>
      tpu.wait_dma2 semaphore(%arg5 : memref<!tpu.dma_semaphore, #tpu.memory_space<semaphore_mem>>) src(%dma_wait3A_10 : memref<8x10000xf32, #tpu.memory_space<hbm>>) dst(%arg4 : memref<8x10000xf32, #tpu.memory_space<vmem>>)
      %dma_start3A_11 = arith.constant 0 : i32
      %dma_start3A_12 = tpu.memref_slice %arg3[%multiple_of3A, %dma_start3A_11] : memref<32x10000xf32, #tpu.memory_space<hbm>> -> memref<8x10000xf32, #tpu.memory_space<hbm>>
      %dma_start3A_13 = arith.constant 0 : i32
      %dma_start3A_14 = tpu.memref_slice %arg3[%multiple_of3A, %dma_start3A_13] : memref<32x10000xf32, #tpu.memory_space<hbm>> -> memref<8x10000xf32, #tpu.memory_space<hbm>>
      tpu.enqueue_dma source(%arg4 : memref<8x10000xf32, #tpu.memory_space<vmem>>) target(%dma_start3A_14 : memref<8x10000xf32, #tpu.memory_space<hbm>>) target_semaphore(%arg5 : memref<!tpu.dma_semaphore, #tpu.memory_space<semaphore_mem>>)
      %dma_wait3A_15 = arith.constant 0 : i32
      %dma_wait3A_16 = tpu.memref_slice %arg3[%multiple_of3A, %dma_wait3A_15] : memref<32x10000xf32, #tpu.memory_space<hbm>> -> memref<8x10000xf32, #tpu.memory_space<hbm>>
      %dma_wait3A_17 = arith.constant 0 : i32
      %dma_wait3A_18 = tpu.memref_slice %arg3[%multiple_of3A, %dma_wait3A_17] : memref<32x10000xf32, #tpu.memory_space<hbm>> -> memref<8x10000xf32, #tpu.memory_space<hbm>>
      tpu.wait_dma2 semaphore(%arg5 : memref<!tpu.dma_semaphore, #tpu.memory_space<semaphore_mem>>) src(%arg4 : memref<8x10000xf32, #tpu.memory_space<vmem>>) dst(%dma_wait3A_18 : memref<8x10000xf32, #tpu.memory_space<hbm>>)
    } else {
    }
    return
  }
}

module attributes {stable_mosaic.version = 14 : i64} {
  func.func @body(%arg0: memref<32x10000xf32, #tpu.memory_space<vmem>>, %arg1: memref<16x12x32x10000xf32, #tpu.memory_space<any>>, %arg2: memref<!tpu.dma_semaphore, #tpu.memory_space<semaphore_mem>>) attributes {dimension_semantics = [], scalar_prefetch = 0 : i64, scratch_operands = 1 : i64, tpu.core_type = #tpu.core_type<tc>} {
    %scan3A = arith.constant 0 : i32
    %scan3A_0 = arith.constant 192 : i32
    %scan3A_1 = arith.addi %scan3A, %scan3A_0 : i32
    %scan3A_2 = arith.constant 1 : i32
    scf.for %scan3A_9 = %scan3A to %scan3A_1 step %scan3A_2  : i32 {
      %jit3A = arith.constant 12 : i32
      %div3A = arith.divsi %scan3A_9, %jit3A : i32
      %sign3A = arith.constant 0 : i32
      %sign3A_10 = arith.cmpi sgt, %scan3A_9, %sign3A : i32
      %sign3A_11 = arith.extui %sign3A_10 : i1 to i32
      %sign3A_12 = arith.constant 0 : i32
      %sign3A_13 = arith.cmpi slt, %scan3A_9, %sign3A_12 : i32
      %sign3A_14 = arith.extui %sign3A_13 : i1 to i32
      %sign3A_15 = arith.subi %sign3A_11, %sign3A_14 : i32
      %sign3A_16 = arith.constant 0 : i32
      %sign3A_17 = arith.cmpi sgt, %jit3A, %sign3A_16 : i32
      %sign3A_18 = arith.extui %sign3A_17 : i1 to i32
      %sign3A_19 = arith.constant 0 : i32
      %sign3A_20 = arith.cmpi slt, %jit3A, %sign3A_19 : i32
      %sign3A_21 = arith.extui %sign3A_20 : i1 to i32
      %sign3A_22 = arith.subi %sign3A_18, %sign3A_21 : i32
      %ne3A = arith.cmpi ne, %sign3A_15, %sign3A_22 : i32
      %rem3A = arith.remsi %scan3A_9, %jit3A : i32
      %ne3A_23 = arith.constant 0 : i32
      %ne3A_24 = arith.cmpi ne, %rem3A, %ne3A_23 : i32
      %and3A = arith.andi %ne3A, %ne3A_24 : i1
      %sub3A = arith.constant 1 : i32
      %sub3A_25 = arith.subi %div3A, %sub3A : i32
      %select_n3A = arith.select %and3A, %sub3A_25, %div3A : i32
      %mul3A = arith.constant 12 : i32
      %mul3A_26 = arith.muli %select_n3A, %mul3A : i32
      %sub3A_27 = arith.subi %scan3A_9, %mul3A_26 : i32
      %dma_start3A = arith.constant 0 : i32
      %dma_start3A_28 = arith.constant 0 : i32
      %dma_start3A_29 = tpu.memref_slice %arg1[%select_n3A, %sub3A_27, %dma_start3A, %dma_start3A_28] : memref<16x12x32x10000xf32, #tpu.memory_space<any>> -> memref<1x1x32x10000xf32, #tpu.memory_space<any>>
      %dma_start3A_30 = tpu.memref_squeeze %dma_start3A_29 : memref<1x1x32x10000xf32, #tpu.memory_space<any>> -> memref<32x10000xf32, #tpu.memory_space<any>>
      tpu.enqueue_dma source(%arg0 : memref<32x10000xf32, #tpu.memory_space<vmem>>) target(%dma_start3A_30 : memref<32x10000xf32, #tpu.memory_space<any>>) target_semaphore(%arg2 : memref<!tpu.dma_semaphore, #tpu.memory_space<semaphore_mem>>)
    }
    %scan3A_3 = arith.constant 192 : i32
    %scan3A_4 = arith.constant 0 : i32
    %scan3A_5 = arith.constant 192 : i32
    %scan3A_6 = arith.addi %scan3A_4, %scan3A_5 : i32
    %scan3A_7 = arith.constant 1 : i32
    scf.for %scan3A_9 = %scan3A_4 to %scan3A_6 step %scan3A_7  : i32 {
      %jit3A = arith.constant 12 : i32
      %div3A = arith.divsi %scan3A_9, %jit3A : i32
      %sign3A = arith.constant 0 : i32
      %sign3A_10 = arith.cmpi sgt, %scan3A_9, %sign3A : i32
      %sign3A_11 = arith.extui %sign3A_10 : i1 to i32
      %sign3A_12 = arith.constant 0 : i32
      %sign3A_13 = arith.cmpi slt, %scan3A_9, %sign3A_12 : i32
      %sign3A_14 = arith.extui %sign3A_13 : i1 to i32
      %sign3A_15 = arith.subi %sign3A_11, %sign3A_14 : i32
      %sign3A_16 = arith.constant 0 : i32
      %sign3A_17 = arith.cmpi sgt, %jit3A, %sign3A_16 : i32
      %sign3A_18 = arith.extui %sign3A_17 : i1 to i32
      %sign3A_19 = arith.constant 0 : i32
      %sign3A_20 = arith.cmpi slt, %jit3A, %sign3A_19 : i32
      %sign3A_21 = arith.extui %sign3A_20 : i1 to i32
      %sign3A_22 = arith.subi %sign3A_18, %sign3A_21 : i32
      %ne3A = arith.cmpi ne, %sign3A_15, %sign3A_22 : i32
      %rem3A = arith.remsi %scan3A_9, %jit3A : i32
      %ne3A_23 = arith.constant 0 : i32
      %ne3A_24 = arith.cmpi ne, %rem3A, %ne3A_23 : i32
      %and3A = arith.andi %ne3A, %ne3A_24 : i1
      %sub3A = arith.constant 1 : i32
      %sub3A_25 = arith.subi %div3A, %sub3A : i32
      %select_n3A = arith.select %and3A, %sub3A_25, %div3A : i32
      %mul3A = arith.constant 12 : i32
      %mul3A_26 = arith.muli %select_n3A, %mul3A : i32
      %sub3A_27 = arith.subi %scan3A_9, %mul3A_26 : i32
      %dma_wait3A = arith.constant 0 : i32
      %dma_wait3A_28 = arith.constant 0 : i32
      %dma_wait3A_29 = tpu.memref_slice %arg1[%select_n3A, %sub3A_27, %dma_wait3A, %dma_wait3A_28] : memref<16x12x32x10000xf32, #tpu.memory_space<any>> -> memref<1x1x32x10000xf32, #tpu.memory_space<any>>
      %dma_wait3A_30 = tpu.memref_squeeze %dma_wait3A_29 : memref<1x1x32x10000xf32, #tpu.memory_space<any>> -> memref<32x10000xf32, #tpu.memory_space<any>>
      tpu.wait_dma2 semaphore(%arg2 : memref<!tpu.dma_semaphore, #tpu.memory_space<semaphore_mem>>) src(%arg0 : memref<32x10000xf32, #tpu.memory_space<vmem>>) dst(%dma_wait3A_30 : memref<32x10000xf32, #tpu.memory_space<any>>)
    }
    %scan3A_8 = arith.constant 192 : i32
    return
  }
}

module attributes {stable_mosaic.version = 14 : i64} {
  func.func @_merge_body(%arg0: memref<16x12x32x10000xf32, #tpu.memory_space<any>>, %arg1: memref<32x10000xf32, #tpu.memory_space<vmem>>, %arg2: memref<16x12x32x10000xf32, #tpu.memory_space<any>>, %arg3: memref<!tpu.dma_semaphore, #tpu.memory_space<semaphore_mem>>) attributes {dimension_semantics = [], scalar_prefetch = 0 : i64, scratch_operands = 1 : i64, tpu.core_type = #tpu.core_type<tc>} {
    %dma_start3A = arith.constant 0 : i32
    %dma_start3A_0 = arith.constant 0 : i32
    %dma_start3A_1 = arith.constant 0 : i32
    %dma_start3A_2 = arith.constant 0 : i32
    %dma_start3A_3 = tpu.memref_slice %arg2[%dma_start3A, %dma_start3A_0, %dma_start3A_1, %dma_start3A_2] : memref<16x12x32x10000xf32, #tpu.memory_space<any>> -> memref<1x1x32x10000xf32, #tpu.memory_space<any>>
    %dma_start3A_4 = tpu.memref_squeeze %dma_start3A_3 : memref<1x1x32x10000xf32, #tpu.memory_space<any>> -> memref<32x10000xf32, #tpu.memory_space<any>>
    tpu.enqueue_dma source(%arg1 : memref<32x10000xf32, #tpu.memory_space<vmem>>) target(%dma_start3A_4 : memref<32x10000xf32, #tpu.memory_space<any>>) target_semaphore(%arg3 : memref<!tpu.dma_semaphore, #tpu.memory_space<semaphore_mem>>)
    %dma_wait3A = arith.constant 0 : i32
    %dma_wait3A_5 = arith.constant 0 : i32
    %dma_wait3A_6 = arith.constant 0 : i32
    %dma_wait3A_7 = arith.constant 0 : i32
    %dma_wait3A_8 = tpu.memref_slice %arg2[%dma_wait3A, %dma_wait3A_5, %dma_wait3A_6, %dma_wait3A_7] : memref<16x12x32x10000xf32, #tpu.memory_space<any>> -> memref<1x1x32x10000xf32, #tpu.memory_space<any>>
    %dma_wait3A_9 = tpu.memref_squeeze %dma_wait3A_8 : memref<1x1x32x10000xf32, #tpu.memory_space<any>> -> memref<32x10000xf32, #tpu.memory_space<any>>
    tpu.wait_dma2 semaphore(%arg3 : memref<!tpu.dma_semaphore, #tpu.memory_space<semaphore_mem>>) src(%arg1 : memref<32x10000xf32, #tpu.memory_space<vmem>>) dst(%dma_wait3A_9 : memref<32x10000xf32, #tpu.memory_space<any>>)
    return
  }
}

</mosaic_0001>

<sc_bundles>
// kernel: kernel.5.cloned.1.call-start
scs
__scs_entry_jumppad:
0x0: {  	(pc) =	sbr.rel $0x88, $3  }
0x1: {  	(tag) =	ssettag $0x0;
	lr =	simm.s32 $0x1  }
0x2: {  	[smem:$0x3FA0] =	sst lr;
	_ =	strace $0xD0000000  }
0x3: {  	_ = 	snop  }
0x4: {  	_ = 	snop  }
0x5: {  	_ = 	snop  }
0x6: {  	_ = 	snop  }
0x7: {  	_ = 	snop  }
__scs_overlays_trampoline_lowered:
0x8: {  	[smem:$0x3FAF] =	sst s0  }
0x9: {  	[smem:$0x3FB0] =	sst s1  }
0xa: {  	[smem:$0x3FB1] =	sst s2  }
0xb: {  	[smem:$0x3FB2] =	sst s3  }
0xc: {  	[smem:$0x3FB3] =	sst s4  }
0xd: {  	[smem:$0x3FB4] =	sst s5  }
0xe: {  	[smem:$0x3FB5] =	sst s6  }
0xf: {  	[smem:$0x3FB6] =	sst s7  }
0x10: {  	[smem:$0x3FB7] =	sst s8  }
0x11: {  	[smem:$0x3FB8] =	sst s9;
	s0 =	simm.s32 @!p0 $0x0  }
0x12: {  	s1 =	sld [smem:$0x3F9E];
	s0 =	simm.s32 @p0 $0x1  }
0x13: {  	[smem:$0x3FB9] =	sst s0;
	s0 =	simm.s32 @!p1 $0x0  }
0x14: {  	s2 =	sld [smem:$0x3F9D];
	s0 =	simm.s32 @p1 $0x1  }
0x15: {  	[smem:$0x3FBA] =	sst s0;
	s0 =	simm.s32 @!p2 $0x0  }
0x16: {  	s3 =	sld [smem:$0x3FDB];
	s0 =	simm.s32 @p2 $0x1  }
0x17: {  	s4 =	simm.s32 $0x1BF5;
	[smem:$0x3FBC] =	sst s0  }
0x18: {  	s0 =	sld [smem:$0x3F9F];
	_ =	swait.ge [sflag:s4], $0x0  }
0x19: {  	s7 =	sld [smem:$0x3FA0]  }
0x1a: {  	s8 =	sadd.s32 $0xFFFFE003, lr  }
0x1b: {  	s9 =	sadd.s32 $0xFFFFFEF7, lr;
	s5 =	simm.s32 $0xFFFFFFFF;
	p2 =	slt.u32 s8, $0xFFFFF086  }
0x1c: {  	p1 =	slt.u32 s9, $0xF7A;
	s5 =	simm.s32 @!p2 $0x0  }
0x1d: {  	s5 =	simm.s32 @p1 $0x1;
	p0 =	seq.s32 s7, s2  }
0x1e: {  	s7 =	smul.u32 @!p0 $0xF7A, s2;
	p2 =	seq.s32 @!p0 s5, $0x0  }
0x1f: {  	s9 =	smul.u32 $0xF7A, s1;
	s8 =	simm.s32 @!p0 $0x1BF5;
	p2 =	por !p2, p0  }
0x20: {  	[sflag:s8] =	ssyncset.s32 @!p0 $0xFFFFF086;
	s6 =	sadd.s32 @!p0 s3, s7;
	s7 =	simm.s32 @!p0 $0x108  }
0x21: {  	s3 =	sadd.s32 s3, s9;
	s6 =	sadd.s32 @!p0 $0x88, s6;
	s7 =	simm.s32 @p2 $0x1082  }
0x22: {  	[simem:s7], [sflag:s8] =	dma.local @!p0 [hbm:s6], $0xF7A  }
0x23: {  	s9 =	sor.u32 $0xD0000000, s2;
	s6 =	simm.s32 $0x108;
	_ =	swait.ge @!p0 [sflag:s8], $0x0  }
0x24: {  	s3 =	sadd.s32 $0x88, s3;
	s6 =	simm.s32 @!p1 $0x1082;
	[sflag:s4] =	ssyncset.s32 $0xFFFFF086  }
0x25: {  	[simem:s6], [sflag:s4] =	dma.local [hbm:s3], $0xF7A  }
0x26: {  	[smem:$0x3FA0] =	sst s1;
	(tag) =	ssettag s2;
	_ =	strace s9  }
0x27: {  	s1 =	sld [smem:$0x3FB0]  }
0x28: {  	s2 =	sld [smem:$0x3FB1]  }
0x29: {  	s4 =	sld [smem:$0x3FB3]  }
0x2a: {  	p0 =	seq.s32 s5, $0x0;
	s5 =	sld [smem:$0x3FB4]  }
0x2b: {  	s6 =	sld [smem:$0x3FB5]  }
0x2c: {  	s7 =	sld [smem:$0x3FB6]  }
0x2d: {  	s3 =	simm.s32 $0x108;
	s8 =	sld [smem:$0x3FB7]  }
0x2e: {  	s3 =	simm.s32 @!p0 $0x1082;
	s9 =	sld [smem:$0x3FB8]  }
0x2f: {  	lr =	sadd.s32 s0, s3;
	s0 =	sld [smem:$0x3FAF]  }
0x30: {  	s3 =	sld [smem:$0x3FB2]  }
0x31: {  	[smem:$0x3FBB] =	sst s10  }
0x32: {  	s10 =	sld [smem:$0x3FB9];
	_ =	sdelay $0x3  }
0x33: {  	p0 =	seq.s32 s10, $0x1;
	s10 =	sld [smem:$0x3FBB];
	_ =	sdelay $0x3  }
0x34: {  	[smem:$0x3FBB] =	sst s10  }
0x35: {  	s10 =	sld [smem:$0x3FBA];
	_ =	sdelay $0x3  }
0x36: {  	p1 =	seq.s32 s10, $0x1;
	s10 =	sld [smem:$0x3FBB];
	_ =	sdelay $0x3  }
0x37: {  	[smem:$0x3FBB] =	sst s10  }
0x38: {  	s10 =	sld [smem:$0x3FBC]  }
0x39: {  	_ = 	snop;
	(pc) =	sbr.ind lr, $3  }
0x3a: {  	_ = 	snop  }
0x3b: {  	_ = 	snop  }
0x3c: {  	p2 =	seq.s32 s10, $0x1;
	s10 =	sld [smem:$0x3FBB]  }
0x3d: {  	_ =	shalt  }
0x3e: {  	_ =	shalt  }
0x3f: {  	_ =	shalt  }
0x40: {  	_ =	shalt  }
0x41: {  	_ =	shalt  }
0x42: {  	_ =	shalt  }
0x43: {  	_ =	shalt  }
0x44: {  	_ =	shalt  }
0x45: {  	_ =	shalt  }
0x46: {  	_ =	shalt  }
0x47: {  	_ =	shalt  }
0x48: {  	_ =	shalt  }
0x49: {  	_ =	shalt  }
0x4a: {  	_ =	shalt  }
0x4b: {  	_ =	shalt  }
0x4c: {  	_ =	shalt  }
0x4d: {  	_ =	shalt  }
0x4e: {  	_ =	shalt  }
0x4f: {  	_ =	shalt  }
0x50: {  	_ =	shalt  }
0x51: {  	_ =	shalt  }
0x52: {  	_ =	shalt  }
0x53: {  	_ =	shalt  }
0x54: {  	_ =	shalt  }
0x55: {  	_ =	shalt  }
0x56: {  	_ =	shalt  }
0x57: {  	_ =	shalt  }
0x58: {  	_ =	shalt  }
0x59: {  	_ =	shalt  }
0x5a: {  	_ =	shalt  }
0x5b: {  	_ =	shalt  }
0x5c: {  	_ =	shalt  }
0x5d: {  	_ =	shalt  }
0x5e: {  	_ =	shalt  }
0x5f: {  	_ =	shalt  }
0x60: {  	_ =	shalt  }
0x61: {  	_ =	shalt  }
0x62: {  	_ =	shalt  }
0x63: {  	_ =	shalt  }
0x64: {  	_ =	shalt  }
0x65: {  	_ =	shalt  }
0x66: {  	_ =	shalt  }
0x67: {  	_ =	shalt  }
0x68: {  	_ =	shalt  }
0x69: {  	_ =	shalt  }
0x6a: {  	_ =	shalt  }
0x6b: {  	_ =	shalt  }
0x6c: {  	_ =	shalt  }
0x6d: {  	_ =	shalt  }
0x6e: {  	_ =	shalt  }
0x6f: {  	_ =	shalt  }
0x70: {  	_ =	shalt  }
0x71: {  	_ =	shalt  }
0x72: {  	_ =	shalt  }
0x73: {  	_ =	shalt  }
0x74: {  	_ =	shalt  }
0x75: {  	_ =	shalt  }
0x76: {  	_ =	shalt  }
0x77: {  	_ =	shalt  }
0x78: {  	_ =	shalt  }
0x79: {  	_ =	shalt  }
0x7a: {  	_ =	shalt  }
0x7b: {  	_ =	shalt  }
0x7c: {  	_ =	shalt  }
0x7d: {  	_ =	shalt  }
0x7e: {  	_ =	shalt  }
0x7f: {  	_ =	shalt  }
0x80: {  	_ =	shalt  }
0x81: {  	_ =	shalt  }
0x82: {  	_ =	shalt  }
0x83: {  	_ =	shalt  }
0x84: {  	_ =	shalt  }
0x85: {  	_ =	shalt  }
0x86: {  	_ =	shalt  }
0x87: {  	_ =	shalt  }
.Lfunc_end0:
.L_simem_size_0:
called_computation_lowered:
.L_overlay_start_0:
0x88: {  	s2 =	sld [smem:$0x3FD9]  }
0x89: {  	s3 =	sld [smem:$0x3FFE];
	_ =	sdelay $0x1  }
0x8a: {  	s1 =	srdreg.scid  }
0x8b: {  	s0 =	sand.u32 $0x1, s1  }
0x8c: {  	s17 =	sshll.u32 s0, $0xA;
	s2 =	sadd.s32 s3, s2  }
0x8d: {  	s2 =	sadd.s32 s2, s17  }
0x8e: {  	[smem:$0x3FC7] =	sst s2  }
0x8f: {  	_ = 	snop  }
0x90: {  	s2 =	sld [smem:$0x3FC9];
	(tm) =	ssettm $0x1  }
0x91: {  	s18 =	sld [smem:$0x3FFB];
	_ =	sdelay $0x3  }
0x92: {  	_ =	strace s18  }
0x93: {  	s3 =	sld [smem:$0x3FFC];
	_ =	sdelay $0x3  }
0x94: {  	_ =	strace s3  }
0x95: {  	s3 =	sld [smem:$0x3FFD];
	_ =	sdelay $0x3  }
0x96: {  	_ =	strace s3  }
0x97: {  	_ =	strace $0x8FFFFFFF  }
0x98: {  	s19 =	sld [smem:$0x3FDB];
	_ =	sdelay $0x1  }
0x99: {  	s4 =	simm.s32 $_scs_section_size  }
0x9a: {  	s5 =	simm.s32 $_size__tile_overlayer_lowered;
	s6 =	simm.s32 $_tile_overlayer_lowered  }
0x9b: {  	s22 =	simm.s32 $0x1BFF;
	s21 =	sshll.u32 s6, $0x1;
	s3 =	sadd.s32 s4, s19  }
0x9c: {  	s7 =	simm.s32 $0x0;
	s20 =	sshll.u32 s5, $0x1;
	s5 =	sadd.s32 s21, s3  }
0x9d: {  	[timem:s7], [sflag:s22] =	dma.local [hbm:s5], s20  }
0x9e: {  	_ =	swait.ge [sflag:s22], s20  }
0x9f: {  	s4 =	ssub.s32 $0x0, s20;
	[sflag:s22] =	ssyncset.done $0x0  }
0xa0: {  	[sflag:s22] =	ssyncadd.s32 s4;
	_ =	sdelay $0x1  }
0xa1: {  	s23 =	simm.s32 $0x1B8B  }
0xa2: {  	_ =	swait.ge [sflag:s23], $0x1  }
0xa3: {  	[sflag:s23] =	ssyncset.done $0x0  }
0xa4: {  	s25 =	simm.s32 $0x1B8E;
	s24 =	sld [smem:$0x3FFE];
	[sflag:s23] =	ssyncadd.s32 $0xFFFFFFFF  }
0xa5: {  	s26 =	simm.s32 $execute0_lowered;
	[smem:$0x3FD2] =	sst s25  }
0xa6: {  	s5 =	sshll.u32 s26, $0x1;
	_ =	strace $0x80000046;
	[dreg:$0x1] =	wrdreg $0xFFFFFFFF  }
0xa7: {  	s28 =	simm.s32 $_size_execute0_lowered;
	s3 =	sadd.s32 s3, s5;
	[dreg:$0x0] =	wrdreg $0x0  }
0xa8: {  	s5 =	sshll.u32 s28, $0x1;
	[dreg:$0x2] =	wrdreg s3  }
0xa9: {  	[dreg:$0x3] =	wrdreg s5  }
0xaa: {  	[dreg:$0x4] =	wrdreg $0xC0  }
0xab: {  	_ =	task [dreg:s7], $0x5FFFF  }
0xac: {  	[dreg:$0x1] =	wrdreg $0xFFFFFFFF  }
0xad: {  	[dreg:$0x0] =	wrdreg $0x60  }
0xae: {  	[dreg:$0x2] =	wrdreg s2  }
0xaf: {  	[dreg:$0x3] =	wrdreg s24  }
0xb0: {  	[dreg:$0x4] =	wrdreg $0x9  }
0xb1: {  	_ =	task.clear_ibuf [dreg:s7], $0x5FFFF;
	_ =	strace $0x90000046  }
0xb2: {  	s29 =	simm.s32 $0x9;
	_ =	strace $0x80000048  }
0xb3: {  	_ =	swait.ge [sflag:s29], $0x1  }
0xb4: {  	[sflag:s29] =	ssyncadd.s32 $0xFFFFFFFF  }
0xb5: {  	_ =	strace $0x90000048  }
0xb6: {  	_ =	sfence  }
0xb7: {  	s30 =	sld [smem:$0x0];
	_ =	sdelay $0x2  }
0xb8: {  	s31 =	sshll.u32 s1, $0xD;
	s1 =	sshrl.u32 s1, $0x2  }
0xb9: {  	s3 =	sand.u32 $0x4000, s31;
	s1 =	sadd.s32 s1, s30  }
0xba: {  	s0 =	sor.u32 s3, s0;
	s1 =	sshll.u32 s1, $0x11  }
0xbb: {  	s0 =	sor.u32 s1, s0  }
0xbc: {  	s0 =	sadd.s32 $0x8F2B, s0  }
0xbd: {  	[sflag:s0] =	ssyncadd.remote.s32 $0x1  }
0xbe: {  	_ =	sfence.sel $0xFFFF  }
0xbf: {  	[dreg:$0x0] =	wrdreg $0xFFFFFFFF;
	(pc) =	sbr.abs _section_cstart, $3  }
0xc0: {  	[dreg:$0x1] =	wrdreg $0xFFFFFFFF  }
0xc1: {  	_ =	task.clear_ibuf [dreg:s7], $0x2FFFF;
	_ =	strace $0x9FFFFFFF  }
0xc2: {  	(tm) =	ssettm $0x7FFFFFFF  }
0xc3: {  	_ =	shalt  }
tec
execute0_lowered:
.L_overlay_start_1:
0x0: {  	(tag) =	ssettag $0x1  }
0x1: {  	s1 =	stileid.u32  }
0x2: {  	p0 =	sgt.u32 s1, $0x1  }
.Ltmp0:
0x3: {  	_ = 	snop;
	(pc) =	sbr.rel @p0 .LBB2_4-.Ltmp0, $4  }
0x4: {  	s3 =	rddreg [dreg:$0x0]  }
0x5: {  	s5 =	rddreg [dreg:$0x1];
	s2 =	simm.s32 $0x0  }
0x6: {  	[smem:$0x7FF] =	sst s2  }
0x7: {  	s0 =	rddreg [dreg:$0x2];
	_ =	strace $0x80000047  }
0x8: {  	s4 =	srdreg.scid  }
0x9: {  	s6 =	sshll.u32 s1, $0x1;
	s4 =	sand.u32 $0x1, s4  }
0xa: {  	s6 =	sor.u32 s4, s6  }
0xb: {  	s7 =	ssub.s32 $0x2, s4;
	s6 =	smul.u32 $0x2780, s6  }
0xc: {  	s8 =	sshrl.u32 s7, $0x1  }
0xd: {  	s31 =	ssub.s32 s7, s8;
	s4 =	sadd.s32 s3, s6  }
0xe: {  	s3 =	simm.s32 $0x1;
	s5 =	sadd.s32 s6, s5;
	s6 =	smax.u32 s31, $0x1  }
0xf: {  	[tilespmem:s2], [sflag:$0x1] =	stream.linear.gather [hbm4b:s4+s2], $0x13C00, $0x38;
	[tilespmem:$0x13C00] =	vst v63  }
0x10: {  	p0 =	sne.s32 s6, $0x1;
	_ =	swait.ge [sflag:s3], $0x13C00  }
.Ltmp1:
0x11: {  	[sflag:s3] =	ssyncset.done $0x0;
	(pc) =	sbr.rel @!p0 .LBB2_3-.Ltmp1, $4  }
0x12: {  	s5 =	sadd.s32 $0x800, s5;
	[sflag:s3] =	ssyncadd.s32 $0xFFFEC400  }
0x13: {  	[hbm4b:s5+s2] =	stream.linear.scatter [tilespmem:s2], [sflag:$0x1], $0x13C00, $0x38;
	[tilespmem:$0x13C00] =	vst v63  }
0x14: {  	_ =	swait.ge [sflag:s3], $0x13C00  }
0x15: {  	s6 =	sadd.s32 $0xFFFFFFFF, s6;
	[sflag:s3] =	ssyncset.done $0x0  }
.LBB2_2:
0x16: {  	p0 =	sne.s32 s6, $0x1;
	s6 =	sadd.s32 $0xFFFFFFFF, s6;
	[sflag:s3] =	ssyncadd.s32 $0xFFFEC400  }
0x17: {  	[tilespmem:s2], [sflag:$0x1] =	stream.linear.gather [hbm4b:s4+s2], $0x13C00, $0x38;
	[tilespmem:$0x13C00] =	vst v63  }
0x18: {  	_ =	swait.ge [sflag:s3], $0x13C00  }
.Ltmp2:
0x19: {  	[sflag:s3] =	ssyncset.done $0x0;
	(pc) =	sbr.rel @p0 .LBB2_2-.Ltmp2, $4  }
0x1a: {  	[sflag:s3] =	ssyncadd.s32 $0xFFFEC400  }
0x1b: {  	[hbm4b:s5+s2] =	stream.linear.scatter [tilespmem:s2], [sflag:$0x1], $0x13C00, $0x38;
	[tilespmem:$0x13C00] =	vst v63  }
0x1c: {  	_ =	swait.ge [sflag:s3], $0x13C00  }
0x1d: {  	[sflag:s3] =	ssyncset.done $0x0  }
.LBB2_3:
0x1e: {  	[sflag:s3] =	ssyncadd.s32 $0xFFFEC400  }
.LBB2_4:
0x1f: {  	_ =	sfence.sel $0x180000  }
0x20: {  	[bflag:$0x0] =	sbarrier.arrive $0xFFFF  }
0x21: {  	p0 =	sne.s32 s1, $0x0;
	_ =	strace $0x90000047  }
0x22: {  	s0 =	sadd.s32 @!p0 $0x100000, s0;
	[bflag:$0x2] =	sbarrier.arrive $0xFFFF  }
0x23: {  	[sflag:s0] =	ssyncadd.tile.s32 @!p0 $0x1;
	_ =	shalt  }
.Lfunc_end2:
_tile_overlayer_lowered:
.L_overlay_start_2:
0x24: {  	(tag) =	ssettag $0x2  }
0x25: {  	s0 =	rddreg [dreg:$0x0];
	s2 =	stileid.u32  }
0x26: {  	s1 =	rddreg [dreg:$0x1];
	p0 =	sne.s32 s2, $0x0  }
0x27: {  	s3 =	rddreg [dreg:$0x2];
	[bflag:$0x3] =	sbarrier.arrive $0xFFFF;
	s2 =	simm.s32 @!p0 $0x1C02  }
0x28: {  	[timem:s3], [sflag:s2] =	dma.local @!p0 [hbm:s0], s1  }
0x29: {  	s0 =	simm.s32 @!p0 $0x2  }
0x2a: {  	_ =	swait.ge @!p0 [sflag:s0], s1  }
0x2b: {  	s1 =	ssub.s32 @!p0 $0x0, s1;
	[sflag:s0] =	ssyncset.done @!p0 $0x0  }
0x2c: {  	[sflag:s0] =	ssyncadd.s32 @!p0 s1  }
0x2d: {  	[bflag:$0x3] =	sbarrier.arrive $0xFFFF  }
0x2e: {  	_ =	shalt  }

</sc_bundles>
